<compile_context>
chip_gen: v7x
topology: tpu7x:2x2x1
jax: 0.10.2.dev20260603
libtpu: 0.0.44.dev20260713+nightly
codegen_flags: <defaults>
</compile_context>

<pallas_src>
import jax
import jax.numpy as jnp
from jax import lax
from jax.experimental import pallas as pl
from jax.experimental.pallas import tpu as pltpu
from jax.experimental.pallas import tpu_sc as plsc

D_MODEL = 4096
BATCH = 16
LANES = 16
UNROLL = 8


_GATHER_DNUMS = lax.GatherDimensionNumbers(
    offset_dims=(), collapsed_slice_dims=(0,), start_index_map=(0,))


def _permute(x, idx):
    return lax.gather(x, idx[:, None], _GATHER_DNUMS, slice_sizes=(1,),
                      mode=lax.GatherScatterMode.PROMISE_IN_BOUNDS)


def _allreduce_sum(x):
    lane = lax.iota(jnp.int32, 16)
    for d in (1, 2, 4, 8):
        x = x + _permute(x, lane ^ d)
    return x


def _body(hs_hbm, lens_hbm, out_hbm, lens_v, x_v):
    b = lax.axis_index("s")

    pltpu.sync_copy(lens_hbm, lens_v)
    lens = lens_v[...].astype(jnp.float32)
    lane = lax.iota(jnp.int32, 16)
    masked = jnp.where(lane <= b, lens, 0.0)
    r_vec = (_allreduce_sum(masked) - 1.0).astype(jnp.int32)
    r = r_vec[0]

    pltpu.sync_copy(hs_hbm.at[r], x_v)

    def ss_step(i, accs):
        base = i * (UNROLL * LANES)
        loaded = [x_v[pl.ds(base + j * LANES, LANES)] for j in range(UNROLL)]
        return tuple(accs[j] + loaded[j] * loaded[j] for j in range(UNROLL))

    zeros = tuple(jnp.zeros((LANES,), jnp.float32) for _ in range(UNROLL))
    accs = lax.fori_loop(0, D_MODEL // (UNROLL * LANES), ss_step, zeros)
    acc = accs[0]
    for a in accs[1:]:
        acc = acc + a
    ssb = _allreduce_sum(acc)

    ssb = jnp.maximum(ssb, 1e-30)
    bits = lax.bitcast_convert_type(ssb, jnp.int32)
    y = lax.bitcast_convert_type(0x5F3759DF - (bits >> 1), jnp.float32)
    for _ in range(3):
        y = y * (1.5 - 0.5 * ssb * y * y)
    norm = ssb * y
    inv = 1.0 / jnp.maximum(norm, 1e-12)

    def sc_step(i, carry):
        base = i * (UNROLL * LANES)
        for j in range(UNROLL):
            ix = pl.ds(base + j * LANES, LANES)
            x_v[ix] = x_v[ix] * inv
        return carry

    lax.fori_loop(0, D_MODEL // (UNROLL * LANES), sc_step, 0)
    pltpu.sync_copy(x_v, out_hbm.at[b])


_pooler = pl.kernel(
    _body,
    out_type=jax.ShapeDtypeStruct((BATCH, D_MODEL), jnp.float32),
    mesh=plsc.VectorSubcoreMesh(core_axis_name="c", subcore_axis_name="s",
                                num_cores=1, num_subcores=16),
    compiler_params=pltpu.CompilerParams(use_tc_tiling_on_sc=True),
    scratch_types=[
        pltpu.VMEM((16,), jnp.int32),
        pltpu.VMEM((D_MODEL,), jnp.float32),
    ],
)


@jax.jit
def kernel(hidden_states, prompt_lens):
    return _pooler(hidden_states, prompt_lens)

# --- scband reference (transcript-rebuilt; emitter-appended) ---
"""Pipeline reference for scband-pooler-6158983102953 (READ-ONLY COPY).

The authoritative reference and input builder live on the scoring server;
editing this copy changes nothing except your own understanding.
"""

import jax, jax.numpy as jnp
import numpy as np

TOTAL_TOKENS = 32768
D_MODEL = 4096
BATCH = 16

def setup_inputs(seed: int = 0) -> dict:
    key = jax.random.key(seed)
    k1, k2 = jax.random.split(key)
    hidden_states = jax.random.normal(k1, (TOTAL_TOKENS, D_MODEL), dtype=jnp.float32)
    # prompt_lens in [1, 2048]; sum <= 16*2048 = 32768 so all flat indices are in range
    prompt_lens = jax.random.randint(k2, (BATCH,), 1, 2049, dtype=jnp.int32)
    return {"hidden_states": hidden_states, "prompt_lens": prompt_lens}

def reference(hidden_states, prompt_lens):
    # PoolingType.LAST: gather the last token of each prompt from the flattened
    # (total_tokens, d_model) hidden states.
    last_token_flat_indices = jnp.cumsum(prompt_lens) - 1
    pooled_data = jnp.take(hidden_states, last_token_flat_indices, axis=0)
    # normalize=True: F.normalize(pooled, p=2, dim=1) -> x / max(||x||_2, eps)
    norm = jnp.linalg.norm(pooled_data, ord=2, axis=1, keepdims=True)
    pooled_data = pooled_data / jnp.maximum(norm, 1e-12)
    # softmax=False: no-op
    return pooled_data

if __name__ == "__main__":
    import jax
    _d = setup_inputs()
    print(jax.jit(kernel)(*tuple(_d.values())))

</pallas_src>

<mosaic_0001>
#map = affine_map<(d0, d1) -> (0, 0)>
#map1 = affine_map<(d0, d1) -> (0)>
module attributes {stable_mosaic.version = 14 : i64} {
  func.func @_body(%arg0: i32, %arg1: i32, %arg2: memref<32768x4096xf32, #tpu.memory_space<hbm>>, %arg3: memref<16xi32, #tpu.memory_space<hbm>>, %arg4: memref<16x4096xf32, #tpu.memory_space<hbm>>, %arg5: memref<16xi32, #tpu.memory_space<vmem>>, %arg6: memref<4096xf32, #tpu.memory_space<vmem>>) attributes {dimension_semantics = [#tpu.dimension_semantics<core_parallel>, #tpu.dimension_semantics<subcore_parallel>], iteration_bounds = array<i64: 1, 16>, scalar_prefetch = 0 : i64, scratch_operands = 2 : i64, tpu.core_type = #tpu.core_type<sc_vector_subcore>, window_params = [{transform_indices = #map}, {transform_indices = #map1}, {transform_indices = #map}]} {
    "tpu.region"() ({
      %run_scoped3A = tpu.sem_alloc : memref<!tpu.dma_semaphore, #tpu.memory_space<semaphore_mem>>
      tpu.enqueue_dma source(%arg3 : memref<16xi32, #tpu.memory_space<hbm>>) target(%arg5 : memref<16xi32, #tpu.memory_space<vmem>>) target_semaphore(%run_scoped3A : memref<!tpu.dma_semaphore, #tpu.memory_space<semaphore_mem>>)
      tpu.wait_dma2 semaphore(%run_scoped3A : memref<!tpu.dma_semaphore, #tpu.memory_space<semaphore_mem>>) src(%arg3 : memref<16xi32, #tpu.memory_space<hbm>>) dst(%arg5 : memref<16xi32, #tpu.memory_space<vmem>>)
      tpu.yield
    }) : () -> ()
    %get3A = arith.constant 0 : index
    %get3A_0 = tpu.vector_load %arg5[%get3A] {strides = array<i32>} : memref<16xi32, #tpu.memory_space<vmem>>, vector<16xi32>,
    %get3A_1 = vector.shape_cast %get3A_0 : vector<16xi32> to vector<16xi32>
    %convert_element_type3A = arith.sitofp %get3A_1 : vector<16xi32> to vector<16xf32>
    %iota3A = tpu.iota {dimensions = array<i32: 0>} : vector<16xi32>
    %le3A = vector.broadcast %arg1 : i32 to vector<16xi32>
    %le3A_2 = arith.cmpi sle, %iota3A, %le3A : vector<16xi32>
    %jit3A = arith.constant 0.000000e+00 : f32
    %broadcast_in_dim3A = vector.broadcast %jit3A : f32 to vector<16xf32>
    %select_n3A = arith.select %le3A_2, %convert_element_type3A, %broadcast_in_dim3A : vector<16xi1>, vector<16xf32>
    %iota3A_3 = tpu.iota {dimensions = array<i32: 0>} : vector<16xi32>
    %xor3A = arith.constant 1 : i32
    %xor3A_4 = vector.broadcast %xor3A : i32 to vector<16xi32>
    %xor3A_5 = arith.xori %iota3A_3, %xor3A_4 : vector<16xi32>
    %broadcast_in_dim3A_6 = vector.shape_cast %xor3A_5 : vector<16xi32> to vector<16x1xi32>
    %gather3A = vector.shape_cast %broadcast_in_dim3A_6 : vector<16x1xi32> to vector<16xi32>
    %gather3A_7 = tpu.dynamic_gather %select_n3A[%gather3A] in [0] : vector<16xf32>, vector<16xi32> -> vector<16xf32>
    %add3A = arith.addf %select_n3A, %gather3A_7 : vector<16xf32>
    %xor3A_8 = arith.constant 2 : i32
    %xor3A_9 = vector.broadcast %xor3A_8 : i32 to vector<16xi32>
    %xor3A_10 = arith.xori %iota3A_3, %xor3A_9 : vector<16xi32>
    %broadcast_in_dim3A_11 = vector.shape_cast %xor3A_10 : vector<16xi32> to vector<16x1xi32>
    %gather3A_12 = vector.shape_cast %broadcast_in_dim3A_11 : vector<16x1xi32> to vector<16xi32>
    %gather3A_13 = tpu.dynamic_gather %add3A[%gather3A_12] in [0] : vector<16xf32>, vector<16xi32> -> vector<16xf32>
    %add3A_14 = arith.addf %add3A, %gather3A_13 : vector<16xf32>
    %xor3A_15 = arith.constant 4 : i32
    %xor3A_16 = vector.broadcast %xor3A_15 : i32 to vector<16xi32>
    %xor3A_17 = arith.xori %iota3A_3, %xor3A_16 : vector<16xi32>
    %broadcast_in_dim3A_18 = vector.shape_cast %xor3A_17 : vector<16xi32> to vector<16x1xi32>
    %gather3A_19 = vector.shape_cast %broadcast_in_dim3A_18 : vector<16x1xi32> to vector<16xi32>
    %gather3A_20 = tpu.dynamic_gather %add3A_14[%gather3A_19] in [0] : vector<16xf32>, vector<16xi32> -> vector<16xf32>
    %add3A_21 = arith.addf %add3A_14, %gather3A_20 : vector<16xf32>
    %xor3A_22 = arith.constant 8 : i32
    %xor3A_23 = vector.broadcast %xor3A_22 : i32 to vector<16xi32>
    %xor3A_24 = arith.xori %iota3A_3, %xor3A_23 : vector<16xi32>
    %broadcast_in_dim3A_25 = vector.shape_cast %xor3A_24 : vector<16xi32> to vector<16x1xi32>
    %gather3A_26 = vector.shape_cast %broadcast_in_dim3A_25 : vector<16x1xi32> to vector<16xi32>
    %gather3A_27 = tpu.dynamic_gather %add3A_21[%gather3A_26] in [0] : vector<16xf32>, vector<16xi32> -> vector<16xf32>
    %add3A_28 = arith.addf %add3A_21, %gather3A_27 : vector<16xf32>
    %sub3A = arith.constant 1.000000e+00 : f32
    %sub3A_29 = vector.broadcast %sub3A : f32 to vector<16xf32>
    %sub3A_30 = arith.subf %add3A_28, %sub3A_29 : vector<16xf32>
    %convert_element_type3A_31 = arith.fptosi %sub3A_30 : vector<16xf32> to vector<16xi32>
    %slice3A = vector.extract_strided_slice %convert_element_type3A_31 {offsets = [0], sizes = [1], strides = [1]} : vector<16xi32> to vector<1xi32>
    %squeeze3A = vector.extract %slice3A[0] : i32 from vector<1xi32>
    "tpu.region"() ({
      %run_scoped3A = tpu.sem_alloc : memref<!tpu.dma_semaphore, #tpu.memory_space<semaphore_mem>>
      %dma_start3A = arith.constant 0 : i32
      %dma_start3A_135 = tpu.memref_slice %arg2[%squeeze3A, %dma_start3A] : memref<32768x4096xf32, #tpu.memory_space<hbm>> -> memref<1x4096xf32, #tpu.memory_space<hbm>>
      %dma_start3A_136 = tpu.memref_squeeze %dma_start3A_135 : memref<1x4096xf32, #tpu.memory_space<hbm>> -> memref<4096xf32, #tpu.memory_space<hbm>>
      %dma_start3A_137 = arith.constant 0 : i32
      %dma_start3A_138 = tpu.memref_slice %arg2[%squeeze3A, %dma_start3A_137] : memref<32768x4096xf32, #tpu.memory_space<hbm>> -> memref<1x4096xf32, #tpu.memory_space<hbm>>
      %dma_start3A_139 = tpu.memref_squeeze %dma_start3A_138 : memref<1x4096xf32, #tpu.memory_space<hbm>> -> memref<4096xf32, #tpu.memory_space<hbm>>
      tpu.enqueue_dma source(%dma_start3A_139 : memref<4096xf32, #tpu.memory_space<hbm>>) target(%arg6 : memref<4096xf32, #tpu.memory_space<vmem>>) target_semaphore(%run_scoped3A : memref<!tpu.dma_semaphore, #tpu.memory_space<semaphore_mem>>)
      %dma_wait3A = arith.constant 0 : i32
      %dma_wait3A_140 = tpu.memref_slice %arg2[%squeeze3A, %dma_wait3A] : memref<32768x4096xf32, #tpu.memory_space<hbm>> -> memref<1x4096xf32, #tpu.memory_space<hbm>>
      %dma_wait3A_141 = tpu.memref_squeeze %dma_wait3A_140 : memref<1x4096xf32, #tpu.memory_space<hbm>> -> memref<4096xf32, #tpu.memory_space<hbm>>
      %dma_wait3A_142 = arith.constant 0 : i32
      %dma_wait3A_143 = tpu.memref_slice %arg2[%squeeze3A, %dma_wait3A_142] : memref<32768x4096xf32, #tpu.memory_space<hbm>> -> memref<1x4096xf32, #tpu.memory_space<hbm>>
      %dma_wait3A_144 = tpu.memref_squeeze %dma_wait3A_143 : memref<1x4096xf32, #tpu.memory_space<hbm>> -> memref<4096xf32, #tpu.memory_space<hbm>>
      tpu.wait_dma2 semaphore(%run_scoped3A : memref<!tpu.dma_semaphore, #tpu.memory_space<semaphore_mem>>) src(%dma_wait3A_144 : memref<4096xf32, #tpu.memory_space<hbm>>) dst(%arg6 : memref<4096xf32, #tpu.memory_space<vmem>>)
      tpu.yield
    }) : () -> ()
    %broadcast_in_dim3A_32 = arith.constant 0.000000e+00 : f32
    %broadcast_in_dim3A_33 = vector.broadcast %broadcast_in_dim3A_32 : f32 to vector<16xf32>
    %broadcast_in_dim3A_34 = arith.constant 0.000000e+00 : f32
    %broadcast_in_dim3A_35 = vector.broadcast %broadcast_in_dim3A_34 : f32 to vector<16xf32>
    %broadcast_in_dim3A_36 = arith.constant 0.000000e+00 : f32
    %broadcast_in_dim3A_37 = vector.broadcast %broadcast_in_dim3A_36 : f32 to vector<16xf32>
    %broadcast_in_dim3A_38 = arith.constant 0.000000e+00 : f32
    %broadcast_in_dim3A_39 = vector.broadcast %broadcast_in_dim3A_38 : f32 to vector<16xf32>
    %broadcast_in_dim3A_40 = arith.constant 0.000000e+00 : f32
    %broadcast_in_dim3A_41 = vector.broadcast %broadcast_in_dim3A_40 : f32 to vector<16xf32>
    %broadcast_in_dim3A_42 = arith.constant 0.000000e+00 : f32
    %broadcast_in_dim3A_43 = vector.broadcast %broadcast_in_dim3A_42 : f32 to vector<16xf32>
    %broadcast_in_dim3A_44 = arith.constant 0.000000e+00 : f32
    %broadcast_in_dim3A_45 = vector.broadcast %broadcast_in_dim3A_44 : f32 to vector<16xf32>
    %broadcast_in_dim3A_46 = arith.constant 0.000000e+00 : f32
    %broadcast_in_dim3A_47 = vector.broadcast %broadcast_in_dim3A_46 : f32 to vector<16xf32>
    %scan3A = arith.constant 0 : i32
    %scan3A_48 = arith.constant 32 : i32
    %scan3A_49 = arith.addi %scan3A, %scan3A_48 : i32
    %scan3A_50 = arith.constant 1 : i32
    %scan3A_51:8 = scf.for %scan3A_135 = %scan3A to %scan3A_49 step %scan3A_50 iter_args(%scan3A_136 = %broadcast_in_dim3A_33, %scan3A_137 = %broadcast_in_dim3A_35, %scan3A_138 = %broadcast_in_dim3A_37, %scan3A_139 = %broadcast_in_dim3A_39, %scan3A_140 = %broadcast_in_dim3A_41, %scan3A_141 = %broadcast_in_dim3A_43, %scan3A_142 = %broadcast_in_dim3A_45, %scan3A_143 = %broadcast_in_dim3A_47) -> (vector<16xf32>, vector<16xf32>, vector<16xf32>, vector<16xf32>, vector<16xf32>, vector<16xf32>, vector<16xf32>, vector<16xf32>)  : i32 {
      %mul3A_144 = arith.constant 128 : i32
      %mul3A_145 = arith.muli %scan3A_135, %mul3A_144 : i32
      %add3A_146 = arith.constant 0 : i32
      %add3A_147 = arith.addi %mul3A_145, %add3A_146 : i32
      %get3A_148 = arith.index_cast %add3A_147 : i32 to index
      %get3A_149 = tpu.vector_load %arg6[%get3A_148] {strides = array<i32>} : memref<4096xf32, #tpu.memory_space<vmem>>, vector<16xf32>,
      %get3A_150 = vector.shape_cast %get3A_149 : vector<16xf32> to vector<16xf32>
      %add3A_151 = arith.constant 16 : i32
      %add3A_152 = arith.addi %mul3A_145, %add3A_151 : i32
      %get3A_153 = arith.index_cast %add3A_152 : i32 to index
      %get3A_154 = tpu.vector_load %arg6[%get3A_153] {strides = array<i32>} : memref<4096xf32, #tpu.memory_space<vmem>>, vector<16xf32>,
      %get3A_155 = vector.shape_cast %get3A_154 : vector<16xf32> to vector<16xf32>
      %add3A_156 = arith.constant 32 : i32
      %add3A_157 = arith.addi %mul3A_145, %add3A_156 : i32
      %get3A_158 = arith.index_cast %add3A_157 : i32 to index
      %get3A_159 = tpu.vector_load %arg6[%get3A_158] {strides = array<i32>} : memref<4096xf32, #tpu.memory_space<vmem>>, vector<16xf32>,
      %get3A_160 = vector.shape_cast %get3A_159 : vector<16xf32> to vector<16xf32>
      %add3A_161 = arith.constant 48 : i32
      %add3A_162 = arith.addi %mul3A_145, %add3A_161 : i32
      %get3A_163 = arith.index_cast %add3A_162 : i32 to index
      %get3A_164 = tpu.vector_load %arg6[%get3A_163] {strides = array<i32>} : memref<4096xf32, #tpu.memory_space<vmem>>, vector<16xf32>,
      %get3A_165 = vector.shape_cast %get3A_164 : vector<16xf32> to vector<16xf32>
      %add3A_166 = arith.constant 64 : i32
      %add3A_167 = arith.addi %mul3A_145, %add3A_166 : i32
      %get3A_168 = arith.index_cast %add3A_167 : i32 to index
      %get3A_169 = tpu.vector_load %arg6[%get3A_168] {strides = array<i32>} : memref<4096xf32, #tpu.memory_space<vmem>>, vector<16xf32>,
      %get3A_170 = vector.shape_cast %get3A_169 : vector<16xf32> to vector<16xf32>
      %add3A_171 = arith.constant 80 : i32
      %add3A_172 = arith.addi %mul3A_145, %add3A_171 : i32
      %get3A_173 = arith.index_cast %add3A_172 : i32 to index
      %get3A_174 = tpu.vector_load %arg6[%get3A_173] {strides = array<i32>} : memref<4096xf32, #tpu.memory_space<vmem>>, vector<16xf32>,
      %get3A_175 = vector.shape_cast %get3A_174 : vector<16xf32> to vector<16xf32>
      %add3A_176 = arith.constant 96 : i32
      %add3A_177 = arith.addi %mul3A_145, %add3A_176 : i32
      %get3A_178 = arith.index_cast %add3A_177 : i32 to index
      %get3A_179 = tpu.vector_load %arg6[%get3A_178] {strides = array<i32>} : memref<4096xf32, #tpu.memory_space<vmem>>, vector<16xf32>,
      %get3A_180 = vector.shape_cast %get3A_179 : vector<16xf32> to vector<16xf32>
      %add3A_181 = arith.constant 112 : i32
      %add3A_182 = arith.addi %mul3A_145, %add3A_181 : i32
      %get3A_183 = arith.index_cast %add3A_182 : i32 to index
      %get3A_184 = tpu.vector_load %arg6[%get3A_183] {strides = array<i32>} : memref<4096xf32, #tpu.memory_space<vmem>>, vector<16xf32>,
      %get3A_185 = vector.shape_cast %get3A_184 : vector<16xf32> to vector<16xf32>
      %mul3A_186 = arith.mulf %get3A_150, %get3A_150 : vector<16xf32>
      %add3A_187 = arith.addf %scan3A_136, %mul3A_186 : vector<16xf32>
      %mul3A_188 = arith.mulf %get3A_155, %get3A_155 : vector<16xf32>
      %add3A_189 = arith.addf %scan3A_137, %mul3A_188 : vector<16xf32>
      %mul3A_190 = arith.mulf %get3A_160, %get3A_160 : vector<16xf32>
      %add3A_191 = arith.addf %scan3A_138, %mul3A_190 : vector<16xf32>
      %mul3A_192 = arith.mulf %get3A_165, %get3A_165 : vector<16xf32>
      %add3A_193 = arith.addf %scan3A_139, %mul3A_192 : vector<16xf32>
      %mul3A_194 = arith.mulf %get3A_170, %get3A_170 : vector<16xf32>
      %add3A_195 = arith.addf %scan3A_140, %mul3A_194 : vector<16xf32>
      %mul3A_196 = arith.mulf %get3A_175, %get3A_175 : vector<16xf32>
      %add3A_197 = arith.addf %scan3A_141, %mul3A_196 : vector<16xf32>
      %mul3A_198 = arith.mulf %get3A_180, %get3A_180 : vector<16xf32>
      %add3A_199 = arith.addf %scan3A_142, %mul3A_198 : vector<16xf32>
      %mul3A_200 = arith.mulf %get3A_185, %get3A_185 : vector<16xf32>
      %add3A_201 = arith.addf %scan3A_143, %mul3A_200 : vector<16xf32>
      scf.yield %add3A_187, %add3A_189, %add3A_191, %add3A_193, %add3A_195, %add3A_197, %add3A_199, %add3A_201 : vector<16xf32>, vector<16xf32>, vector<16xf32>, vector<16xf32>, vector<16xf32>, vector<16xf32>, vector<16xf32>, vector<16xf32>
    }
    %scan3A_52 = arith.constant 32 : i32
    %add3A_53 = arith.addf %scan3A_51#0, %scan3A_51#1 : vector<16xf32>
    %add3A_54 = arith.addf %add3A_53, %scan3A_51#2 : vector<16xf32>
    %add3A_55 = arith.addf %add3A_54, %scan3A_51#3 : vector<16xf32>
    %add3A_56 = arith.addf %add3A_55, %scan3A_51#4 : vector<16xf32>
    %add3A_57 = arith.addf %add3A_56, %scan3A_51#5 : vector<16xf32>
    %add3A_58 = arith.addf %add3A_57, %scan3A_51#6 : vector<16xf32>
    %add3A_59 = arith.addf %add3A_58, %scan3A_51#7 : vector<16xf32>
    %iota3A_60 = tpu.iota {dimensions = array<i32: 0>} : vector<16xi32>
    %xor3A_61 = arith.constant 1 : i32
    %xor3A_62 = vector.broadcast %xor3A_61 : i32 to vector<16xi32>
    %xor3A_63 = arith.xori %iota3A_60, %xor3A_62 : vector<16xi32>
    %broadcast_in_dim3A_64 = vector.shape_cast %xor3A_63 : vector<16xi32> to vector<16x1xi32>
    %gather3A_65 = vector.shape_cast %broadcast_in_dim3A_64 : vector<16x1xi32> to vector<16xi32>
    %gather3A_66 = tpu.dynamic_gather %add3A_59[%gather3A_65] in [0] : vector<16xf32>, vector<16xi32> -> vector<16xf32>
    %add3A_67 = arith.addf %add3A_59, %gather3A_66 : vector<16xf32>
    %xor3A_68 = arith.constant 2 : i32
    %xor3A_69 = vector.broadcast %xor3A_68 : i32 to vector<16xi32>
    %xor3A_70 = arith.xori %iota3A_60, %xor3A_69 : vector<16xi32>
    %broadcast_in_dim3A_71 = vector.shape_cast %xor3A_70 : vector<16xi32> to vector<16x1xi32>
    %gather3A_72 = vector.shape_cast %broadcast_in_dim3A_71 : vector<16x1xi32> to vector<16xi32>
    %gather3A_73 = tpu.dynamic_gather %add3A_67[%gather3A_72] in [0] : vector<16xf32>, vector<16xi32> -> vector<16xf32>
    %add3A_74 = arith.addf %add3A_67, %gather3A_73 : vector<16xf32>
    %xor3A_75 = arith.constant 4 : i32
    %xor3A_76 = vector.broadcast %xor3A_75 : i32 to vector<16xi32>
    %xor3A_77 = arith.xori %iota3A_60, %xor3A_76 : vector<16xi32>
    %broadcast_in_dim3A_78 = vector.shape_cast %xor3A_77 : vector<16xi32> to vector<16x1xi32>
    %gather3A_79 = vector.shape_cast %broadcast_in_dim3A_78 : vector<16x1xi32> to vector<16xi32>
    %gather3A_80 = tpu.dynamic_gather %add3A_74[%gather3A_79] in [0] : vector<16xf32>, vector<16xi32> -> vector<16xf32>
    %add3A_81 = arith.addf %add3A_74, %gather3A_80 : vector<16xf32>
    %xor3A_82 = arith.constant 8 : i32
    %xor3A_83 = vector.broadcast %xor3A_82 : i32 to vector<16xi32>
    %xor3A_84 = arith.xori %iota3A_60, %xor3A_83 : vector<16xi32>
    %broadcast_in_dim3A_85 = vector.shape_cast %xor3A_84 : vector<16xi32> to vector<16x1xi32>
    %gather3A_86 = vector.shape_cast %broadcast_in_dim3A_85 : vector<16x1xi32> to vector<16xi32>
    %gather3A_87 = tpu.dynamic_gather %add3A_81[%gather3A_86] in [0] : vector<16xf32>, vector<16xi32> -> vector<16xf32>
    %add3A_88 = arith.addf %add3A_81, %gather3A_87 : vector<16xf32>
    %max3A = arith.constant 1.000000e-30 : f32
    %max3A_89 = vector.broadcast %max3A : f32 to vector<16xf32>
    %max3A_90 = arith.maximumf %add3A_88, %max3A_89 : vector<16xf32>
    %bitcast_convert_type3A = tpu.bitcast %max3A_90 : vector<16xf32> -> vector<16xi32>
    %shift_right_arithmetic3A = arith.constant 1 : i32
    %shift_right_arithmetic3A_91 = vector.broadcast %shift_right_arithmetic3A : i32 to vector<16xi32>
    %shift_right_arithmetic3A_92 = arith.shrsi %bitcast_convert_type3A, %shift_right_arithmetic3A_91 : vector<16xi32>
    %sub3A_93 = arith.constant 1597463007 : i32
    %sub3A_94 = vector.broadcast %sub3A_93 : i32 to vector<16xi32>
    %sub3A_95 = arith.subi %sub3A_94, %shift_right_arithmetic3A_92 : vector<16xi32>
    %bitcast_convert_type3A_96 = tpu.bitcast %sub3A_95 : vector<16xi32> -> vector<16xf32>
    %mul3A = arith.constant 5.000000e-01 : f32
    %mul3A_97 = vector.broadcast %mul3A : f32 to vector<16xf32>
    %mul3A_98 = arith.mulf %mul3A_97, %max3A_90 : vector<16xf32>
    %mul3A_99 = arith.mulf %mul3A_98, %bitcast_convert_type3A_96 : vector<16xf32>
    %mul3A_100 = arith.mulf %mul3A_99, %bitcast_convert_type3A_96 : vector<16xf32>
    %sub3A_101 = arith.constant 1.500000e+00 : f32
    %sub3A_102 = vector.broadcast %sub3A_101 : f32 to vector<16xf32>
    %sub3A_103 = arith.subf %sub3A_102, %mul3A_100 : vector<16xf32>
    %mul3A_104 = arith.mulf %bitcast_convert_type3A_96, %sub3A_103 : vector<16xf32>
    %mul3A_105 = arith.constant 5.000000e-01 : f32
    %mul3A_106 = vector.broadcast %mul3A_105 : f32 to vector<16xf32>
    %mul3A_107 = arith.mulf %mul3A_106, %max3A_90 : vector<16xf32>
    %mul3A_108 = arith.mulf %mul3A_107, %mul3A_104 : vector<16xf32>
    %mul3A_109 = arith.mulf %mul3A_108, %mul3A_104 : vector<16xf32>
    %sub3A_110 = arith.constant 1.500000e+00 : f32
    %sub3A_111 = vector.broadcast %sub3A_110 : f32 to vector<16xf32>
    %sub3A_112 = arith.subf %sub3A_111, %mul3A_109 : vector<16xf32>
    %mul3A_113 = arith.mulf %mul3A_104, %sub3A_112 : vector<16xf32>
    %mul3A_114 = arith.constant 5.000000e-01 : f32
    %mul3A_115 = vector.broadcast %mul3A_114 : f32 to vector<16xf32>
    %mul3A_116 = arith.mulf %mul3A_115, %max3A_90 : vector<16xf32>
    %mul3A_117 = arith.mulf %mul3A_116, %mul3A_113 : vector<16xf32>
    %mul3A_118 = arith.mulf %mul3A_117, %mul3A_113 : vector<16xf32>
    %sub3A_119 = arith.constant 1.500000e+00 : f32
    %sub3A_120 = vector.broadcast %sub3A_119 : f32 to vector<16xf32>
    %sub3A_121 = arith.subf %sub3A_120, %mul3A_118 : vector<16xf32>
    %mul3A_122 = arith.mulf %mul3A_113, %sub3A_121 : vector<16xf32>
    %mul3A_123 = arith.mulf %max3A_90, %mul3A_122 : vector<16xf32>
    %max3A_124 = arith.constant 9.99999996E-13 : f32
    %max3A_125 = vector.broadcast %max3A_124 : f32 to vector<16xf32>
    %max3A_126 = arith.maximumf %mul3A_123, %max3A_125 : vector<16xf32>
    %div3A = arith.constant 1.000000e+00 : f32
    %div3A_127 = vector.broadcast %div3A : f32 to vector<16xf32>
    %div3A_128 = arith.divf %div3A_127, %max3A_126 : vector<16xf32>
    %scan3A_129 = arith.constant 0 : i32
    %scan3A_130 = arith.constant 0 : i32
    %scan3A_131 = arith.constant 32 : i32
    %scan3A_132 = arith.addi %scan3A_130, %scan3A_131 : i32
    %scan3A_133 = arith.constant 1 : i32
    scf.for %scan3A_135 = %scan3A_130 to %scan3A_132 step %scan3A_133  : i32 {
      %mul3A_136 = arith.constant 128 : i32
      %mul3A_137 = arith.muli %scan3A_135, %mul3A_136 : i32
      %add3A_138 = arith.constant 0 : i32
      %add3A_139 = arith.addi %mul3A_137, %add3A_138 : i32
      %get3A_140 = arith.index_cast %add3A_139 : i32 to index
      %get3A_141 = tpu.vector_load %arg6[%get3A_140] {strides = array<i32>} : memref<4096xf32, #tpu.memory_space<vmem>>, vector<16xf32>,
      %get3A_142 = vector.shape_cast %get3A_141 : vector<16xf32> to vector<16xf32>
      %mul3A_143 = arith.mulf %get3A_142, %div3A_128 : vector<16xf32>
      %swap3A = arith.index_cast %add3A_139 : i32 to index
      %swap3A_144 = tpu.vector_load %arg6[%swap3A] {strides = array<i32>} : memref<4096xf32, #tpu.memory_space<vmem>>, vector<16xf32>,
      %swap3A_145 = vector.shape_cast %swap3A_144 : vector<16xf32> to vector<16xf32>
      %swap3A_146 = vector.shape_cast %mul3A_143 : vector<16xf32> to vector<16xf32>
      tpu.vector_store %arg6[%swap3A], %swap3A_146 {strides = array<i32>} : memref<4096xf32, #tpu.memory_space<vmem>>, vector<16xf32>,
      %add3A_147 = arith.constant 16 : i32
      %add3A_148 = arith.addi %mul3A_137, %add3A_147 : i32
      %get3A_149 = arith.index_cast %add3A_148 : i32 to index
      %get3A_150 = tpu.vector_load %arg6[%get3A_149] {strides = array<i32>} : memref<4096xf32, #tpu.memory_space<vmem>>, vector<16xf32>,
      %get3A_151 = vector.shape_cast %get3A_150 : vector<16xf32> to vector<16xf32>
      %mul3A_152 = arith.mulf %get3A_151, %div3A_128 : vector<16xf32>
      %swap3A_153 = arith.index_cast %add3A_148 : i32 to index
      %swap3A_154 = tpu.vector_load %arg6[%swap3A_153] {strides = array<i32>} : memref<4096xf32, #tpu.memory_space<vmem>>, vector<16xf32>,
      %swap3A_155 = vector.shape_cast %swap3A_154 : vector<16xf32> to vector<16xf32>
      %swap3A_156 = vector.shape_cast %mul3A_152 : vector<16xf32> to vector<16xf32>
      tpu.vector_store %arg6[%swap3A_153], %swap3A_156 {strides = array<i32>} : memref<4096xf32, #tpu.memory_space<vmem>>, vector<16xf32>,
      %add3A_157 = arith.constant 32 : i32
      %add3A_158 = arith.addi %mul3A_137, %add3A_157 : i32
      %get3A_159 = arith.index_cast %add3A_158 : i32 to index
      %get3A_160 = tpu.vector_load %arg6[%get3A_159] {strides = array<i32>} : memref<4096xf32, #tpu.memory_space<vmem>>, vector<16xf32>,
      %get3A_161 = vector.shape_cast %get3A_160 : vector<16xf32> to vector<16xf32>
      %mul3A_162 = arith.mulf %get3A_161, %div3A_128 : vector<16xf32>
      %swap3A_163 = arith.index_cast %add3A_158 : i32 to index
      %swap3A_164 = tpu.vector_load %arg6[%swap3A_163] {strides = array<i32>} : memref<4096xf32, #tpu.memory_space<vmem>>, vector<16xf32>,
      %swap3A_165 = vector.shape_cast %swap3A_164 : vector<16xf32> to vector<16xf32>
      %swap3A_166 = vector.shape_cast %mul3A_162 : vector<16xf32> to vector<16xf32>
      tpu.vector_store %arg6[%swap3A_163], %swap3A_166 {strides = array<i32>} : memref<4096xf32, #tpu.memory_space<vmem>>, vector<16xf32>,
      %add3A_167 = arith.constant 48 : i32
      %add3A_168 = arith.addi %mul3A_137, %add3A_167 : i32
      %get3A_169 = arith.index_cast %add3A_168 : i32 to index
      %get3A_170 = tpu.vector_load %arg6[%get3A_169] {strides = array<i32>} : memref<4096xf32, #tpu.memory_space<vmem>>, vector<16xf32>,
      %get3A_171 = vector.shape_cast %get3A_170 : vector<16xf32> to vector<16xf32>
      %mul3A_172 = arith.mulf %get3A_171, %div3A_128 : vector<16xf32>
      %swap3A_173 = arith.index_cast %add3A_168 : i32 to index
      %swap3A_174 = tpu.vector_load %arg6[%swap3A_173] {strides = array<i32>} : memref<4096xf32, #tpu.memory_space<vmem>>, vector<16xf32>,
      %swap3A_175 = vector.shape_cast %swap3A_174 : vector<16xf32> to vector<16xf32>
      %swap3A_176 = vector.shape_cast %mul3A_172 : vector<16xf32> to vector<16xf32>
      tpu.vector_store %arg6[%swap3A_173], %swap3A_176 {strides = array<i32>} : memref<4096xf32, #tpu.memory_space<vmem>>, vector<16xf32>,
      %add3A_177 = arith.constant 64 : i32
      %add3A_178 = arith.addi %mul3A_137, %add3A_177 : i32
      %get3A_179 = arith.index_cast %add3A_178 : i32 to index
      %get3A_180 = tpu.vector_load %arg6[%get3A_179] {strides = array<i32>} : memref<4096xf32, #tpu.memory_space<vmem>>, vector<16xf32>,
      %get3A_181 = vector.shape_cast %get3A_180 : vector<16xf32> to vector<16xf32>
      %mul3A_182 = arith.mulf %get3A_181, %div3A_128 : vector<16xf32>
      %swap3A_183 = arith.index_cast %add3A_178 : i32 to index
      %swap3A_184 = tpu.vector_load %arg6[%swap3A_183] {strides = array<i32>} : memref<4096xf32, #tpu.memory_space<vmem>>, vector<16xf32>,
      %swap3A_185 = vector.shape_cast %swap3A_184 : vector<16xf32> to vector<16xf32>
      %swap3A_186 = vector.shape_cast %mul3A_182 : vector<16xf32> to vector<16xf32>
      tpu.vector_store %arg6[%swap3A_183], %swap3A_186 {strides = array<i32>} : memref<4096xf32, #tpu.memory_space<vmem>>, vector<16xf32>,
      %add3A_187 = arith.constant 80 : i32
      %add3A_188 = arith.addi %mul3A_137, %add3A_187 : i32
      %get3A_189 = arith.index_cast %add3A_188 : i32 to index
      %get3A_190 = tpu.vector_load %arg6[%get3A_189] {strides = array<i32>} : memref<4096xf32, #tpu.memory_space<vmem>>, vector<16xf32>,
      %get3A_191 = vector.shape_cast %get3A_190 : vector<16xf32> to vector<16xf32>
      %mul3A_192 = arith.mulf %get3A_191, %div3A_128 : vector<16xf32>
      %swap3A_193 = arith.index_cast %add3A_188 : i32 to index
      %swap3A_194 = tpu.vector_load %arg6[%swap3A_193] {strides = array<i32>} : memref<4096xf32, #tpu.memory_space<vmem>>, vector<16xf32>,
      %swap3A_195 = vector.shape_cast %swap3A_194 : vector<16xf32> to vector<16xf32>
      %swap3A_196 = vector.shape_cast %mul3A_192 : vector<16xf32> to vector<16xf32>
      tpu.vector_store %arg6[%swap3A_193], %swap3A_196 {strides = array<i32>} : memref<4096xf32, #tpu.memory_space<vmem>>, vector<16xf32>,
      %add3A_197 = arith.constant 96 : i32
      %add3A_198 = arith.addi %mul3A_137, %add3A_197 : i32
      %get3A_199 = arith.index_cast %add3A_198 : i32 to index
      %get3A_200 = tpu.vector_load %arg6[%get3A_199] {strides = array<i32>} : memref<4096xf32, #tpu.memory_space<vmem>>, vector<16xf32>,
      %get3A_201 = vector.shape_cast %get3A_200 : vector<16xf32> to vector<16xf32>
      %mul3A_202 = arith.mulf %get3A_201, %div3A_128 : vector<16xf32>
      %swap3A_203 = arith.index_cast %add3A_198 : i32 to index
      %swap3A_204 = tpu.vector_load %arg6[%swap3A_203] {strides = array<i32>} : memref<4096xf32, #tpu.memory_space<vmem>>, vector<16xf32>,
      %swap3A_205 = vector.shape_cast %swap3A_204 : vector<16xf32> to vector<16xf32>
      %swap3A_206 = vector.shape_cast %mul3A_202 : vector<16xf32> to vector<16xf32>
      tpu.vector_store %arg6[%swap3A_203], %swap3A_206 {strides = array<i32>} : memref<4096xf32, #tpu.memory_space<vmem>>, vector<16xf32>,
      %add3A_207 = arith.constant 112 : i32
      %add3A_208 = arith.addi %mul3A_137, %add3A_207 : i32
      %get3A_209 = arith.index_cast %add3A_208 : i32 to index
      %get3A_210 = tpu.vector_load %arg6[%get3A_209] {strides = array<i32>} : memref<4096xf32, #tpu.memory_space<vmem>>, vector<16xf32>,
      %get3A_211 = vector.shape_cast %get3A_210 : vector<16xf32> to vector<16xf32>
      %mul3A_212 = arith.mulf %get3A_211, %div3A_128 : vector<16xf32>
      %swap3A_213 = arith.index_cast %add3A_208 : i32 to index
      %swap3A_214 = tpu.vector_load %arg6[%swap3A_213] {strides = array<i32>} : memref<4096xf32, #tpu.memory_space<vmem>>, vector<16xf32>,
      %swap3A_215 = vector.shape_cast %swap3A_214 : vector<16xf32> to vector<16xf32>
      %swap3A_216 = vector.shape_cast %mul3A_212 : vector<16xf32> to vector<16xf32>
      tpu.vector_store %arg6[%swap3A_213], %swap3A_216 {strides = array<i32>} : memref<4096xf32, #tpu.memory_space<vmem>>, vector<16xf32>,
    }
    %scan3A_134 = arith.constant 32 : i32
    "tpu.region"() ({
      %run_scoped3A = tpu.sem_alloc : memref<!tpu.dma_semaphore, #tpu.memory_space<semaphore_mem>>
      %dma_start3A = arith.constant 0 : i32
      %dma_start3A_135 = tpu.memref_slice %arg4[%arg1, %dma_start3A] : memref<16x4096xf32, #tpu.memory_space<hbm>> -> memref<1x4096xf32, #tpu.memory_space<hbm>>
      %dma_start3A_136 = tpu.memref_squeeze %dma_start3A_135 : memref<1x4096xf32, #tpu.memory_space<hbm>> -> memref<4096xf32, #tpu.memory_space<hbm>>
      %dma_start3A_137 = arith.constant 0 : i32
      %dma_start3A_138 = tpu.memref_slice %arg4[%arg1, %dma_start3A_137] : memref<16x4096xf32, #tpu.memory_space<hbm>> -> memref<1x4096xf32, #tpu.memory_space<hbm>>
      %dma_start3A_139 = tpu.memref_squeeze %dma_start3A_138 : memref<1x4096xf32, #tpu.memory_space<hbm>> -> memref<4096xf32, #tpu.memory_space<hbm>>
      tpu.enqueue_dma source(%arg6 : memref<4096xf32, #tpu.memory_space<vmem>>) target(%dma_start3A_139 : memref<4096xf32, #tpu.memory_space<hbm>>) target_semaphore(%run_scoped3A : memref<!tpu.dma_semaphore, #tpu.memory_space<semaphore_mem>>)
      %dma_wait3A = arith.constant 0 : i32
      %dma_wait3A_140 = tpu.memref_slice %arg4[%arg1, %dma_wait3A] : memref<16x4096xf32, #tpu.memory_space<hbm>> -> memref<1x4096xf32, #tpu.memory_space<hbm>>
      %dma_wait3A_141 = tpu.memref_squeeze %dma_wait3A_140 : memref<1x4096xf32, #tpu.memory_space<hbm>> -> memref<4096xf32, #tpu.memory_space<hbm>>
      %dma_wait3A_142 = arith.constant 0 : i32
      %dma_wait3A_143 = tpu.memref_slice %arg4[%arg1, %dma_wait3A_142] : memref<16x4096xf32, #tpu.memory_space<hbm>> -> memref<1x4096xf32, #tpu.memory_space<hbm>>
      %dma_wait3A_144 = tpu.memref_squeeze %dma_wait3A_143 : memref<1x4096xf32, #tpu.memory_space<hbm>> -> memref<4096xf32, #tpu.memory_space<hbm>>
      tpu.wait_dma2 semaphore(%run_scoped3A : memref<!tpu.dma_semaphore, #tpu.memory_space<semaphore_mem>>) src(%arg6 : memref<4096xf32, #tpu.memory_space<vmem>>) dst(%dma_wait3A_144 : memref<4096xf32, #tpu.memory_space<hbm>>)
      tpu.yield
    }) : () -> ()
    return
  }
}

</mosaic_0001>

<sc_bundles>
// kernel: kernel.3.cloned.1.call-start
scs
__scs_entry_jumppad:
0x0: {  	(pc) =	sbr.rel $0x88, $3  }
0x1: {  	(tag) =	ssettag $0x0;
	lr =	simm.s32 $0x1  }
0x2: {  	[smem:$0x3F9F] =	sst lr;
	_ =	strace $0xD0000000  }
0x3: {  	_ = 	snop  }
0x4: {  	_ = 	snop  }
0x5: {  	_ = 	snop  }
0x6: {  	_ = 	snop  }
0x7: {  	_ = 	snop  }
__scs_overlays_trampoline_lowered:
0x8: {  	[smem:$0x3FAE] =	sst s0  }
0x9: {  	[smem:$0x3FAF] =	sst s1  }
0xa: {  	[smem:$0x3FB0] =	sst s2  }
0xb: {  	[smem:$0x3FB1] =	sst s3  }
0xc: {  	[smem:$0x3FB2] =	sst s4  }
0xd: {  	[smem:$0x3FB3] =	sst s5  }
0xe: {  	[smem:$0x3FB4] =	sst s6  }
0xf: {  	[smem:$0x3FB5] =	sst s7  }
0x10: {  	[smem:$0x3FB6] =	sst s8  }
0x11: {  	[smem:$0x3FB7] =	sst s9;
	s0 =	simm.s32 @!p0 $0x0  }
0x12: {  	s1 =	sld [smem:$0x3F9D];
	s0 =	simm.s32 @p0 $0x1  }
0x13: {  	[smem:$0x3FB8] =	sst s0;
	s0 =	simm.s32 @!p1 $0x0  }
0x14: {  	s2 =	sld [smem:$0x3F9C];
	s0 =	simm.s32 @p1 $0x1  }
0x15: {  	[smem:$0x3FB9] =	sst s0;
	s0 =	simm.s32 @!p2 $0x0  }
0x16: {  	s3 =	sld [smem:$0x3FDB];
	s0 =	simm.s32 @p2 $0x1  }
0x17: {  	s4 =	simm.s32 $0x1BF5;
	[smem:$0x3FBB] =	sst s0  }
0x18: {  	s0 =	sld [smem:$0x3F9E];
	_ =	swait.ge [sflag:s4], $0x0  }
0x19: {  	s7 =	sld [smem:$0x3F9F]  }
0x1a: {  	s8 =	sadd.s32 $0xFFFFE003, lr  }
0x1b: {  	s9 =	sadd.s32 $0xFFFFFEF7, lr;
	s5 =	simm.s32 $0xFFFFFFFF;
	p2 =	slt.u32 s8, $0xFFFFF086  }
0x1c: {  	p1 =	slt.u32 s9, $0xF7A;
	s5 =	simm.s32 @!p2 $0x0  }
0x1d: {  	s5 =	simm.s32 @p1 $0x1;
	p0 =	seq.s32 s7, s2  }
0x1e: {  	s7 =	smul.u32 @!p0 $0xF7A, s2;
	p2 =	seq.s32 @!p0 s5, $0x0  }
0x1f: {  	s9 =	smul.u32 $0xF7A, s1;
	s8 =	simm.s32 @!p0 $0x1BF5;
	p2 =	por !p2, p0  }
0x20: {  	[sflag:s8] =	ssyncset.s32 @!p0 $0xFFFFF086;
	s6 =	sadd.s32 @!p0 s3, s7;
	s7 =	simm.s32 @!p0 $0x108  }
0x21: {  	s3 =	sadd.s32 s3, s9;
	s6 =	sadd.s32 @!p0 $0x88, s6;
	s7 =	simm.s32 @p2 $0x1082  }
0x22: {  	[simem:s7], [sflag:s8] =	dma.local @!p0 [hbm:s6], $0xF7A  }
0x23: {  	s9 =	sor.u32 $0xD0000000, s2;
	s6 =	simm.s32 $0x108;
	_ =	swait.ge @!p0 [sflag:s8], $0x0  }
0x24: {  	s3 =	sadd.s32 $0x88, s3;
	s6 =	simm.s32 @!p1 $0x1082;
	[sflag:s4] =	ssyncset.s32 $0xFFFFF086  }
0x25: {  	[simem:s6], [sflag:s4] =	dma.local [hbm:s3], $0xF7A  }
0x26: {  	[smem:$0x3F9F] =	sst s1;
	(tag) =	ssettag s2;
	_ =	strace s9  }
0x27: {  	s1 =	sld [smem:$0x3FAF]  }
0x28: {  	s2 =	sld [smem:$0x3FB0]  }
0x29: {  	s4 =	sld [smem:$0x3FB2]  }
0x2a: {  	p0 =	seq.s32 s5, $0x0;
	s5 =	sld [smem:$0x3FB3]  }
0x2b: {  	s6 =	sld [smem:$0x3FB4]  }
0x2c: {  	s7 =	sld [smem:$0x3FB5]  }
0x2d: {  	s3 =	simm.s32 $0x108;
	s8 =	sld [smem:$0x3FB6]  }
0x2e: {  	s3 =	simm.s32 @!p0 $0x1082;
	s9 =	sld [smem:$0x3FB7]  }
0x2f: {  	lr =	sadd.s32 s0, s3;
	s0 =	sld [smem:$0x3FAE]  }
0x30: {  	s3 =	sld [smem:$0x3FB1]  }
0x31: {  	[smem:$0x3FBA] =	sst s10  }
0x32: {  	s10 =	sld [smem:$0x3FB8];
	_ =	sdelay $0x3  }
0x33: {  	p0 =	seq.s32 s10, $0x1;
	s10 =	sld [smem:$0x3FBA];
	_ =	sdelay $0x3  }
0x34: {  	[smem:$0x3FBA] =	sst s10  }
0x35: {  	s10 =	sld [smem:$0x3FB9];
	_ =	sdelay $0x3  }
0x36: {  	p1 =	seq.s32 s10, $0x1;
	s10 =	sld [smem:$0x3FBA];
	_ =	sdelay $0x3  }
0x37: {  	[smem:$0x3FBA] =	sst s10  }
0x38: {  	s10 =	sld [smem:$0x3FBB]  }
0x39: {  	_ = 	snop;
	(pc) =	sbr.ind lr, $3  }
0x3a: {  	_ = 	snop  }
0x3b: {  	_ = 	snop  }
0x3c: {  	p2 =	seq.s32 s10, $0x1;
	s10 =	sld [smem:$0x3FBA]  }
0x3d: {  	_ =	shalt  }
0x3e: {  	_ =	shalt  }
0x3f: {  	_ =	shalt  }
0x40: {  	_ =	shalt  }
0x41: {  	_ =	shalt  }
0x42: {  	_ =	shalt  }
0x43: {  	_ =	shalt  }
0x44: {  	_ =	shalt  }
0x45: {  	_ =	shalt  }
0x46: {  	_ =	shalt  }
0x47: {  	_ =	shalt  }
0x48: {  	_ =	shalt  }
0x49: {  	_ =	shalt  }
0x4a: {  	_ =	shalt  }
0x4b: {  	_ =	shalt  }
0x4c: {  	_ =	shalt  }
0x4d: {  	_ =	shalt  }
0x4e: {  	_ =	shalt  }
0x4f: {  	_ =	shalt  }
0x50: {  	_ =	shalt  }
0x51: {  	_ =	shalt  }
0x52: {  	_ =	shalt  }
0x53: {  	_ =	shalt  }
0x54: {  	_ =	shalt  }
0x55: {  	_ =	shalt  }
0x56: {  	_ =	shalt  }
0x57: {  	_ =	shalt  }
0x58: {  	_ =	shalt  }
0x59: {  	_ =	shalt  }
0x5a: {  	_ =	shalt  }
0x5b: {  	_ =	shalt  }
0x5c: {  	_ =	shalt  }
0x5d: {  	_ =	shalt  }
0x5e: {  	_ =	shalt  }
0x5f: {  	_ =	shalt  }
0x60: {  	_ =	shalt  }
0x61: {  	_ =	shalt  }
0x62: {  	_ =	shalt  }
0x63: {  	_ =	shalt  }
0x64: {  	_ =	shalt  }
0x65: {  	_ =	shalt  }
0x66: {  	_ =	shalt  }
0x67: {  	_ =	shalt  }
0x68: {  	_ =	shalt  }
0x69: {  	_ =	shalt  }
0x6a: {  	_ =	shalt  }
0x6b: {  	_ =	shalt  }
0x6c: {  	_ =	shalt  }
0x6d: {  	_ =	shalt  }
0x6e: {  	_ =	shalt  }
0x6f: {  	_ =	shalt  }
0x70: {  	_ =	shalt  }
0x71: {  	_ =	shalt  }
0x72: {  	_ =	shalt  }
0x73: {  	_ =	shalt  }
0x74: {  	_ =	shalt  }
0x75: {  	_ =	shalt  }
0x76: {  	_ =	shalt  }
0x77: {  	_ =	shalt  }
0x78: {  	_ =	shalt  }
0x79: {  	_ =	shalt  }
0x7a: {  	_ =	shalt  }
0x7b: {  	_ =	shalt  }
0x7c: {  	_ =	shalt  }
0x7d: {  	_ =	shalt  }
0x7e: {  	_ =	shalt  }
0x7f: {  	_ =	shalt  }
0x80: {  	_ =	shalt  }
0x81: {  	_ =	shalt  }
0x82: {  	_ =	shalt  }
0x83: {  	_ =	shalt  }
0x84: {  	_ =	shalt  }
0x85: {  	_ =	shalt  }
0x86: {  	_ =	shalt  }
0x87: {  	_ =	shalt  }
.Lfunc_end0:
.L_simem_size_0:
called_computation_lowered:
.L_overlay_start_0:
0x88: {  	s0 =	sld [smem:$0x3FD9]  }
0x89: {  	s1 =	sld [smem:$0x3FFE];
	_ =	sdelay $0x3  }
0x8a: {  	s0 =	sadd.s32 s1, s0  }
0x8b: {  	[smem:$0x3FC6] =	sst s0  }
0x8c: {  	_ = 	snop  }
0x8d: {  	s0 =	sld [smem:$0x3FC9]  }
0x8e: {  	s17 =	sld [smem:$0x3FC8]  }
0x8f: {  	s2 =	sld [smem:$0x3FD0];
	(tm) =	ssettm $0x1  }
0x90: {  	s3 =	sld [smem:$0x3FFB];
	_ =	sdelay $0x3  }
0x91: {  	_ =	strace s3  }
0x92: {  	s3 =	sld [smem:$0x3FFC];
	_ =	sdelay $0x3  }
0x93: {  	_ =	strace s3  }
0x94: {  	s3 =	sld [smem:$0x3FFD];
	_ =	sdelay $0x3  }
0x95: {  	_ =	strace s3  }
0x96: {  	_ =	strace $0x8FFFFFFF  }
0x97: {  	s18 =	sld [smem:$0x3FDB];
	_ =	sdelay $0x1  }
0x98: {  	s4 =	simm.s32 $_scs_section_size  }
0x99: {  	s5 =	simm.s32 $_size__tile_overlayer_lowered;
	s6 =	simm.s32 $_tile_overlayer_lowered  }
0x9a: {  	s21 =	simm.s32 $0x1BFF;
	s20 =	sshll.u32 s6, $0x1;
	s3 =	sadd.s32 s4, s18  }
0x9b: {  	s7 =	simm.s32 $0x0;
	s19 =	sshll.u32 s5, $0x1;
	s5 =	sadd.s32 s20, s3  }
0x9c: {  	[timem:s7], [sflag:s21] =	dma.local [hbm:s5], s19  }
0x9d: {  	_ =	swait.ge [sflag:s21], s19  }
0x9e: {  	s4 =	ssub.s32 $0x0, s19;
	[sflag:s21] =	ssyncset.done $0x0  }
0x9f: {  	[sflag:s21] =	ssyncadd.s32 s4;
	_ =	sdelay $0x1  }
0xa0: {  	s22 =	simm.s32 $0x1B8B  }
0xa1: {  	_ =	swait.ge [sflag:s22], $0x1  }
0xa2: {  	[sflag:s22] =	ssyncset.done $0x0  }
0xa3: {  	s23 =	simm.s32 $0x1B8E;
	[sflag:s22] =	ssyncadd.s32 $0xFFFFFFFF  }
0xa4: {  	s24 =	simm.s32 $execute0_lowered;
	[smem:$0x3FD2] =	sst s23  }
0xa5: {  	s4 =	sshll.u32 s24, $0x1;
	_ =	strace $0x80000046;
	[dreg:$0x1] =	wrdreg $0xFFFFFFFF  }
0xa6: {  	s25 =	simm.s32 $_size_execute0_lowered;
	s3 =	sadd.s32 s3, s4;
	[dreg:$0x0] =	wrdreg $0x0  }
0xa7: {  	s4 =	sshll.u32 s25, $0x1;
	[dreg:$0x2] =	wrdreg s3  }
0xa8: {  	[dreg:$0x3] =	wrdreg s4  }
0xa9: {  	[dreg:$0x4] =	wrdreg $0xC0  }
0xaa: {  	_ =	task [dreg:s7], $0x5FFFF  }
0xab: {  	[dreg:$0x1] =	wrdreg $0xFFFFFFFF  }
0xac: {  	[dreg:$0x0] =	wrdreg $0x60  }
0xad: {  	[dreg:$0x2] =	wrdreg s0  }
0xae: {  	[dreg:$0x3] =	wrdreg s17  }
0xaf: {  	[dreg:$0x4] =	wrdreg s2  }
0xb0: {  	[dreg:$0x5] =	wrdreg $0x9  }
0xb1: {  	_ =	task.clear_ibuf [dreg:s7], $0x6FFFF;
	_ =	strace $0x90000046  }
0xb2: {  	s26 =	simm.s32 $0x9;
	_ =	strace $0x80000048  }
0xb3: {  	_ =	swait.ge [sflag:s26], $0x1  }
0xb4: {  	[sflag:s26] =	ssyncadd.s32 $0xFFFFFFFF  }
0xb5: {  	_ =	strace $0x90000048  }
0xb6: {  	_ =	sfence  }
0xb7: {  	s28 =	sld [smem:$0x0];
	_ =	sdelay $0x1  }
0xb8: {  	s29 =	srdreg.scid  }
0xb9: {  	s30 =	sshll.u32 s29, $0xD;
	s31 =	sshrl.u32 s29, $0x2  }
0xba: {  	s1 =	sand.u32 $0x1, s29;
	s2 =	sand.u32 $0x4000, s30;
	s0 =	sadd.s32 s31, s28  }
0xbb: {  	s1 =	sor.u32 s2, s1;
	s0 =	sshll.u32 s0, $0x11  }
0xbc: {  	s0 =	sor.u32 s0, s1  }
0xbd: {  	s0 =	sadd.s32 $0x8F2B, s0  }
0xbe: {  	[sflag:s0] =	ssyncadd.remote.s32 $0x1  }
0xbf: {  	_ =	sfence.sel $0xFFFF  }
0xc0: {  	[dreg:$0x0] =	wrdreg $0xFFFFFFFF;
	(pc) =	sbr.abs _section_cstart, $3  }
0xc1: {  	[dreg:$0x1] =	wrdreg $0xFFFFFFFF  }
0xc2: {  	_ =	task.clear_ibuf [dreg:s7], $0x2FFFF;
	_ =	strace $0x9FFFFFFF  }
0xc3: {  	(tm) =	ssettm $0x7FFFFFFF  }
tec
execute0_lowered:
.L_overlay_start_1:
0x0: {  	(tag) =	ssettag $0x1  }
0x1: {  	s3 =	rddreg [dreg:$0x0]  }
0x2: {  	s1 =	rddreg [dreg:$0x1]  }
0x3: {  	s2 =	rddreg [dreg:$0x2];
	s4 =	simm.s32 $0x0  }
0x4: {  	[smem:$0x7FF] =	sst s4  }
0x5: {  	s0 =	rddreg [dreg:$0x3];
	s28 =	simm.s32 $0x1;
	_ =	strace $0x80000047  }
0x6: {  	[tilespmem:s4], [sflag:$0x1] =	stream.linear.gather [hbm4b:s1+s4], $0x80, $0x38;
	[tilespmem:$0x1080] =	vst v63  }
0x7: {  	_ =	swait.ge [sflag:s28], $0x80  }
0x8: {  	[sflag:s28] =	ssyncset.done $0x0  }
0x9: {  	[sflag:s28] =	ssyncadd.s32 $0xFFFFFF80  }
0xa: {  	v0 =	vld [tilespmem:$0x0]  }
0xb: {  	v1 =	vimm.s32 $0xEFCDAB89;
	v2 =	vimm.s32 $0x67452301  }
0xc: {  	v4 =	vlaneseq.u32;
	v1 =	vunpack.c.l.s4.s8 v1;
	v2 =	vunpack.c.l.s4.s8 v2  }
0xd: {  	v4 =	vadd.s32 $0xFFFFFFFF, v4;
	s1 =	stileid.u32  }
0xe: {  	v1 =	vunpack.c.0.s8.s32 v1;
	v2 =	vunpack.c.0.s8.s32 v2;
	v3 =	vmov s1  }
0xf: {  	vm0 =	vgt.s32 v3, v4;
	v0 =	vcvt.s32.f32 v0  }
0x10: {  	v1 =	vcombine.low v2, v1;
	v2 =	vimm.s32 $0xDCFE98BA;
	v3 =	vimm.s32 $0x54761032  }
0x11: {  	v2 =	vunpack.c.l.s4.s8 v2;
	v3 =	vunpack.c.l.s4.s8 v3;
	v0 =	vnsel vm0, $0x0, v0  }
0x12: {  	v1 =	vperm.xlane v0, v1  }
0x13: {  	v2 =	vunpack.c.0.s8.s32 v2;
	v3 =	vunpack.c.0.s8.s32 v3  }
0x14: {  	v0 =	vadd.f32 v0, v1  }
0x15: {  	v1 =	vcombine.low v3, v2;
	v2 =	vimm.s32 $0xBA98FEDC;
	v3 =	vimm.s32 $0x32107654  }
0x16: {  	v2 =	vunpack.c.l.s4.s8 v2;
	v3 =	vunpack.c.l.s4.s8 v3  }
0x17: {  	v4 =	vimm.s32 $0xFEDCBA98  }
0x18: {  	v1 =	vperm.xlane v0, v1;
	v2 =	vunpack.c.0.s8.s32 v2;
	v3 =	vunpack.c.0.s8.s32 v3  }
0x19: {  	v5 =	vimm.s32 $0x76543210;
	v4 =	vunpack.c.l.s4.s8 v4  }
0x1a: {  	v0 =	vadd.f32 v0, v1;
	v1 =	vcombine.low v3, v2;
	v2 =	vunpack.c.l.s4.s8 v5  }
0x1b: {  	v3 =	vunpack.c.0.s8.s32 v4  }
0x1c: {  	v1 =	vperm.xlane v0, v1;
	v2 =	vunpack.c.0.s8.s32 v2  }
0x1d: {  	v3 =	vand.u32 $0xF, v3  }
0x1e: {  	v0 =	vadd.f32 v0, v1;
	v1 =	vcombine.low v3, v2;
	_ =	sdelay $0x1  }
0x1f: {  	v1 =	vperm.xlane v0, v1;
	_ =	sdelay $0x1  }
0x20: {  	v0 =	vadd.f32 v0, v1;
	_ =	sdelay $0x1  }
0x21: {  	(v2sf) =	vpush v0, $0x0;
	_ =	sdelay $0xe  }
0x22: {  	s5 =	spop (v2sf)  }
0x23: {  	s5 =	sadd.f32 $-1.000000000e+00, s5;
	_ =	sdelay $0x1  }
0x24: {  	s5 =	scvt.f32.s32 s5;
	_ =	sdelay $0x1  }
0x25: {  	s6 =	sshll.u32 s5, $0xC;
	s5 =	sshll.u32 s5, $0x7  }
0x26: {  	s6 =	sand.u32 $0xFFFF8000, s6;
	s5 =	sand.u32 $0x380, s5  }
0x27: {  	s5 =	sor.u32 s5, s6  }
0x28: {  	s5 =	sshrl.u32 s5, $0x3  }
0x29: {  	s29 =	simm.s32 $0x400;
	s30 =	simm.s32 $0x80;
	s3 =	sadd.s32 s3, s5  }
0x2a: {  	[tilespmem:s30], [sflag:$0x1] =	stream.strided.gather [hbm4b:s3+s30], $0x1000, s29, s30, $0x38;
	[tilespmem:$0x1080] =	vst v63  }
0x2b: {  	_ =	swait.ge [sflag:s28], $0x1000  }
0x2c: {  	[sflag:s28] =	ssyncset.done $0x0  }
0x2d: {  	s31 =	simm.s32 $0x0;
	[sflag:s28] =	ssyncadd.s32 $0xFFFFF000  }
0x2e: {  	v0 =	vld [tilespmem:s31+$0xF0]  }
0x2f: {  	v1 =	vld [tilespmem:s31+$0x80]  }
0x30: {  	v2 =	vld [tilespmem:s31+$0x90];
	_ =	sdelay $0x1  }
0x31: {  	v12 =	vld [tilespmem:s31+$0xA0]  }
0x32: {  	v7 =	vimm.f32 $0.0e+00;
	v10 =	vimm.f32 $0.0e+00;
	v11 =	vld [tilespmem:s31+$0xB0]  }
0x33: {  	v9 =	vimm.f32 $0.0e+00;
	v4 =	vimm.f32 $0.0e+00;
	v8 =	vld [tilespmem:s31+$0xC0];
	v0 =	vmul.f32 v0, v0  }
0x34: {  	v3 =	vimm.f32 $0.0e+00;
	v5 =	vld [tilespmem:s31+$0xD0];
	v13 =	vmul.f32 v1, v1;
	v14 =	vmul.f32 v2, v2  }
0x35: {  	s4 =	simm.s32 $0x400;
	s3 =	simm.s32 $0x80;
	v6 =	vld [tilespmem:s31+$0xE0];
	v2 =	vimm.f32 $0.0e+00;
	v1 =	vimm.f32 $0.0e+00;
	v0 =	vadd.f32 v0, v7  }
.LBB2_1:
0x36: {  	p0 =	sne.s32 s4, $0x3E00;
	v15 =	vld [tilespmem:s3+$0xF0];
	v7 =	vadd.f32 v13, v7;
	v12 =	vmul.f32 v12, v12  }
0x37: {  	v13 =	vld [tilespmem:s3+$0x80];
	v10 =	vadd.f32 v14, v10;
	v11 =	vmul.f32 v11, v11  }
0x38: {  	v14 =	vld [tilespmem:s3+$0x90];
	v9 =	vadd.f32 v12, v9;
	v8 =	vmul.f32 v8, v8  }
.Ltmp0:
0x39: {  	v12 =	vld [tilespmem:s3+$0xA0];
	v4 =	vadd.f32 v11, v4;
	v5 =	vmul.f32 v5, v5;
	(pc) =	sbr.rel @p0 .LBB2_1-.Ltmp0, $4  }
0x3a: {  	v11 =	vld [tilespmem:s3+$0xB0];
	v3 =	vadd.f32 v8, v3;
	v6 =	vmul.f32 v6, v6  }
0x3b: {  	v8 =	vld [tilespmem:s3+$0xC0];
	v15 =	vmul.f32 v15, v15;
	v2 =	vadd.f32 v5, v2  }
0x3c: {  	v5 =	vld [tilespmem:s3+$0xD0];
	v13 =	vmul.f32 v13, v13;
	v1 =	vadd.f32 v6, v1  }
0x3d: {  	v6 =	vld [tilespmem:s3+$0xE0];
	s3 =	sshra.s32 s4, $0x2;
	s4 =	sadd.s32 $0x200, s4;
	v14 =	vmul.f32 v14, v14;
	v0 =	vadd.f32 v15, v0  }
0x3e: {  	v15 =	vld [tilespmem:s3+$0x80]  }
0x3f: {  	v16 =	vld [tilespmem:s3+$0x90];
	_ =	sdelay $0x1  }
0x40: {  	v17 =	vld [tilespmem:s3+$0xA0];
	_ =	sdelay $0x1  }
0x41: {  	v7 =	vadd.f32 v13, v7;
	v12 =	vmul.f32 v12, v12;
	v56 =	vld [tilespmem:s3+$0xB0]  }
0x42: {  	v10 =	vadd.f32 v14, v10;
	v57 =	vmul.f32 v15, v15;
	v58 =	vmul.f32 v16, v16  }
0x43: {  	v59 =	vld [tilespmem:s3+$0xC0];
	v11 =	vmul.f32 v11, v11;
	v9 =	vadd.f32 v12, v9  }
0x44: {  	v60 =	vmul.f32 v17, v17;
	v7 =	vadd.f32 v57, v7;
	v10 =	vadd.f32 v58, v10  }
0x45: {  	v61 =	vld [tilespmem:s3+$0xD0];
	v8 =	vmul.f32 v8, v8;
	v4 =	vadd.f32 v11, v4  }
0x46: {  	v62 =	vld [tilespmem:s3+$0xE0];
	v13 =	vmul.f32 v56, v56;
	v9 =	vadd.f32 v60, v9;
	v7 =	vadd.f32 v10, v7  }
0x47: {  	v5 =	vmul.f32 v5, v5;
	v3 =	vadd.f32 v8, v3  }
0x48: {  	v63 =	vmul.f32 v59, v59;
	v4 =	vadd.f32 v13, v4;
	v7 =	vadd.f32 v9, v7  }
0x49: {  	v8 =	vld [tilespmem:s3+$0xF0];
	v6 =	vmul.f32 v6, v6;
	v2 =	vadd.f32 v5, v2  }
0x4a: {  	v5 =	vmul.f32 v61, v61;
	v3 =	vadd.f32 v63, v3;
	v4 =	vadd.f32 v4, v7  }
0x4b: {  	v1 =	vadd.f32 v6, v1;
	v6 =	vmul.f32 v62, v62  }
0x4c: {  	v2 =	vadd.f32 v5, v2;
	v3 =	vadd.f32 v3, v4  }
0x4d: {  	v5 =	vimm.s32 $0x67452301;
	v1 =	vadd.f32 v6, v1  }
0x4e: {  	v4 =	vmul.f32 v8, v8;
	v2 =	vadd.f32 v2, v3;
	v3 =	vimm.s32 $0xEFCDAB89  }
0x4f: {  	v5 =	vunpack.c.l.s4.s8 v5;
	v3 =	vunpack.c.l.s4.s8 v3  }
0x50: {  	v0 =	vadd.f32 v4, v0;
	v1 =	vadd.f32 v1, v2  }
0x51: {  	v2 =	vunpack.c.0.s8.s32 v3;
	v3 =	vunpack.c.0.s8.s32 v5  }
0x52: {  	v0 =	vadd.f32 v0, v1  }
0x53: {  	v1 =	vcombine.low v3, v2;
	v2 =	vimm.s32 $0xDCFE98BA;
	v3 =	vimm.s32 $0x54761032  }
0x54: {  	v2 =	vunpack.c.l.s4.s8 v2;
	v3 =	vunpack.c.l.s4.s8 v3  }
0x55: {  	v1 =	vperm.xlane v0, v1  }
0x56: {  	v2 =	vunpack.c.0.s8.s32 v2;
	v3 =	vunpack.c.0.s8.s32 v3  }
0x57: {  	v0 =	vadd.f32 v1, v0  }
0x58: {  	v1 =	vcombine.low v3, v2;
	v2 =	vimm.s32 $0xBA98FEDC;
	v3 =	vimm.s32 $0x32107654  }
0x59: {  	v2 =	vunpack.c.l.s4.s8 v2;
	v3 =	vunpack.c.l.s4.s8 v3  }
0x5a: {  	v4 =	vimm.s32 $0xFEDCBA98  }
0x5b: {  	v1 =	vperm.xlane v0, v1;
	v2 =	vunpack.c.0.s8.s32 v2;
	v3 =	vunpack.c.0.s8.s32 v3  }
0x5c: {  	v4 =	vunpack.c.l.s4.s8 v4;
	v5 =	vimm.s32 $0x76543210  }
0x5d: {  	v0 =	vadd.f32 v1, v0;
	v1 =	vcombine.low v3, v2;
	v2 =	vunpack.c.l.s4.s8 v5  }
0x5e: {  	v3 =	vunpack.c.0.s8.s32 v4  }
0x5f: {  	v1 =	vperm.xlane v0, v1;
	v2 =	vunpack.c.0.s8.s32 v2  }
0x60: {  	v3 =	vand.u32 $0xF, v3  }
0x61: {  	v0 =	vadd.f32 v1, v0;
	v1 =	vcombine.low v3, v2;
	_ =	sdelay $0x1  }
0x62: {  	v1 =	vperm.xlane v0, v1;
	_ =	sdelay $0x1  }
0x63: {  	v0 =	vadd.f32 v1, v0;
	_ =	sdelay $0x1  }
0x64: {  	v0 =	vmax.f32 v0, $1.000000000e-30  }
0x65: {  	v1 =	vshra.s32 v0, $0x1;
	v2 =	vmul.f32 $5.000000000e-01, v0  }
0x66: {  	v1 =	vsub.s32 $0x5F3759DF, v1  }
0x67: {  	v3 =	vmul.f32 v1, v2;
	_ =	sdelay $0x1  }
0x68: {  	v3 =	vmul.f32 v1, v3;
	_ =	sdelay $0x1  }
0x69: {  	v3 =	vsub.f32 $1.500000000e+00, v3;
	_ =	sdelay $0x1  }
0x6a: {  	v1 =	vmul.f32 v1, v3;
	_ =	sdelay $0x1  }
0x6b: {  	v3 =	vmul.f32 v1, v2;
	_ =	sdelay $0x1  }
0x6c: {  	v3 =	vmul.f32 v3, v1;
	_ =	sdelay $0x1  }
0x6d: {  	v3 =	vsub.f32 $1.500000000e+00, v3;
	_ =	sdelay $0x1  }
0x6e: {  	v1 =	vmul.f32 v3, v1;
	_ =	sdelay $0x1  }
0x6f: {  	v2 =	vmul.f32 v1, v2;
	_ =	sdelay $0x1  }
0x70: {  	v2 =	vmul.f32 v2, v1;
	_ =	sdelay $0x1  }
0x71: {  	v2 =	vsub.f32 $1.500000000e+00, v2;
	_ =	sdelay $0x1  }
0x72: {  	v1 =	vmul.f32 v2, v1;
	_ =	sdelay $0x1  }
0x73: {  	v0 =	vmul.f32 v1, v0;
	_ =	sdelay $0x1  }
0x74: {  	v0 =	vmax.f32 v0, $9.999999960e-13  }
0x75: {  	(erf) = vrcp.f32 v0;
	_ =	sdelay $0x3  }
0x76: {  	s3 =	simm.s32 $0x0  }
0x77: {  	v4 =	vld [tilespmem:s3+$0x80]  }
0x78: {  	v6 =	vld [tilespmem:s3+$0x90]  }
0x79: {  	v5 =	vld [tilespmem:s3+$0xA0]  }
0x7a: {  	v2 =	vld [tilespmem:s3+$0xB0]  }
0x7b: {  	v1 =	vld [tilespmem:s3+$0xC0];
	v0 =	vpop (erf)  }
0x7c: {  	v3 =	vld [tilespmem:s3+$0xD0];
	v7 =	vmul.f32 v4, v0  }
0x7d: {  	s4 =	simm.s32 $0x200;
	v6 =	vmul.f32 v6, v0;
	v4 =	vld [tilespmem:s3+$0xE0]  }
.LBB2_3:
0x7e: {  	s5 =	sshra.s32 s4, $0x2;
	p0 =	sne.s32 s4, $0x3E00;
	[tilespmem:s3+$0x80] =	vst v7;
	v5 =	vmul.f32 v5, v0;
	v7 =	vld [tilespmem:s3+$0xF0]  }
0x7f: {  	v8 =	vld [tilespmem:s5+$0x80];
	[tilespmem:s3+$0x90] =	vst v6;
	v2 =	vmul.f32 v2, v0  }
0x80: {  	v6 =	vld [tilespmem:s5+$0x90];
	[tilespmem:s3+$0xA0] =	vst v5;
	v1 =	vmul.f32 v1, v0  }
.Ltmp1:
0x81: {  	v5 =	vld [tilespmem:s5+$0xA0];
	[tilespmem:s3+$0xB0] =	vst v2;
	v3 =	vmul.f32 v3, v0;
	(pc) =	sbr.rel @p0 .LBB2_3-.Ltmp1, $4  }
0x82: {  	v2 =	vld [tilespmem:s5+$0xB0];
	[tilespmem:s3+$0xC0] =	vst v1;
	v4 =	vmul.f32 v4, v0  }
0x83: {  	v1 =	vld [tilespmem:s5+$0xC0];
	[tilespmem:s3+$0xD0] =	vst v3;
	v9 =	vmul.f32 v7, v0  }
0x84: {  	v7 =	vmul.f32 v8, v0;
	v3 =	vld [tilespmem:s5+$0xD0];
	[tilespmem:s3+$0xE0] =	vst v4  }
0x85: {  	s4 =	sadd.s32 $0x200, s4;
	v6 =	vmul.f32 v6, v0;
	v4 =	vld [tilespmem:s5+$0xE0];
	[tilespmem:s3+$0xF0] =	vst v9;
	s3 =	smov.u32 s5  }
0x86: {  	[tilespmem:s3+$0x80] =	vst v7;
	v5 =	vmul.f32 v5, v0;
	v60 =	vld [tilespmem:s3+$0xF0]  }
0x87: {  	[tilespmem:s3+$0x90] =	vst v6;
	v2 =	vmul.f32 v2, v0  }
0x88: {  	[tilespmem:s3+$0xA0] =	vst v5;
	v1 =	vmul.f32 v1, v0  }
0x89: {  	[tilespmem:s3+$0xB0] =	vst v2;
	v61 =	vmul.f32 v3, v0  }
0x8a: {  	s4 =	sshll.u32 s1, $0x4;
	[tilespmem:s3+$0xC0] =	vst v1;
	v62 =	vmul.f32 v4, v0  }
0x8b: {  	s5 =	sshll.u32 s1, $0x9;
	s4 =	sand.u32 $0x70, s4;
	[tilespmem:s3+$0xD0] =	vst v61;
	v63 =	vmul.f32 v60, v0  }
0x8c: {  	s29 =	simm.s32 $0x400;
	s28 =	sand.u32 $0x1000, s5;
	s2 =	sadd.s32 s2, s4;
	[tilespmem:s3+$0xE0] =	vst v62  }
0x8d: {  	s30 =	simm.s32 $0x80;
	s31 =	simm.s32 $0x1;
	s2 =	sadd.s32 s28, s2;
	[tilespmem:s3+$0xF0] =	vst v63  }
0x8e: {  	[hbm4b:s2+s30] =	stream.strided.scatter [tilespmem:s30], [sflag:$0x1], $0x1000, s29, s30, $0x38;
	[tilespmem:$0x1080] =	vst v63  }
0x8f: {  	_ =	swait.ge [sflag:s31], $0x1000  }
0x90: {  	[sflag:s31] =	ssyncset.done $0x0  }
0x91: {  	[sflag:s31] =	ssyncadd.s32 $0xFFFFF000  }
0x92: {  	_ =	sfence.sel $0x180000  }
0x93: {  	[bflag:$0x0] =	sbarrier.arrive $0xFFFF  }
0x94: {  	p0 =	sne.s32 s1, $0x0;
	_ =	strace $0x90000047  }
0x95: {  	s0 =	sadd.s32 @!p0 $0x100000, s0;
	[bflag:$0x2] =	sbarrier.arrive $0xFFFF  }
0x96: {  	[sflag:s0] =	ssyncadd.tile.s32 @!p0 $0x1;
	_ =	shalt  }
.Lfunc_end2:
_tile_overlayer_lowered:
.L_overlay_start_2:
0x97: {  	(tag) =	ssettag $0x2  }
0x98: {  	s0 =	rddreg [dreg:$0x0];
	s2 =	stileid.u32  }
0x99: {  	s1 =	rddreg [dreg:$0x1];
	p0 =	sne.s32 s2, $0x0  }
0x9a: {  	s3 =	rddreg [dreg:$0x2];
	[bflag:$0x3] =	sbarrier.arrive $0xFFFF;
	s2 =	simm.s32 @!p0 $0x1C01  }
0x9b: {  	[timem:s3], [sflag:s2] =	dma.local @!p0 [hbm:s0], s1  }
0x9c: {  	s0 =	simm.s32 @!p0 $0x1  }
0x9d: {  	_ =	swait.ge @!p0 [sflag:s0], s1  }
0x9e: {  	s1 =	ssub.s32 @!p0 $0x0, s1;
	[sflag:s0] =	ssyncset.done @!p0 $0x0  }
0x9f: {  	[sflag:s0] =	ssyncadd.s32 @!p0 s1  }
0xa0: {  	[bflag:$0x3] =	sbarrier.arrive $0xFFFF  }
0xa1: {  	_ =	shalt  }

</sc_bundles>
